<compile_context>
chip_gen: v7x
topology: tpu7x:2x2x1
jax: 0.10.2.dev20260603
libtpu: 0.0.44.dev20260713+nightly
codegen_flags: <defaults>
</compile_context>

<pallas_src>
import jax
import jax.numpy as jnp
from jax import lax
from jax.experimental import pallas as pl
from jax.experimental.pallas import tpu as pltpu
from jax.experimental.pallas import tpu_sc as plsc

_B = 16384
_D = 16
_NC = 2
_NS = 16
_NW = _NC * _NS
_BPW = _B // _NW
_CH = 16
_NCH = _BPW // _CH


def _gf_body(i_hbm, j_hbm, emb_hbm, out_hbm, idx_i, idx_j, rows_i, rows_j,
             out_v, sem):
    wid = lax.axis_index("s") * _NC + lax.axis_index("c")
    base = wid * _BPW
    pltpu.sync_copy(i_hbm.at[pl.ds(base, _BPW)], idx_i)
    pltpu.sync_copy(j_hbm.at[pl.ds(base, _BPW)], idx_j)
    cp_i = pltpu.async_copy(emb_hbm.at[idx_i], rows_i, sem)
    cp_j = pltpu.async_copy(emb_hbm.at[idx_j], rows_j, sem)
    cp_i.wait()
    cp_j.wait()

    def chunk(c, carry):
        rows = c * _CH + lax.iota(jnp.int32, _CH)
        acc = jnp.zeros((_CH,), jnp.float32)
        for d in range(_D):
            col = jnp.full((_CH,), d, jnp.int32)
            av = plsc.load_gather(rows_i, [rows, col])
            bv = plsc.load_gather(rows_j, [rows, col])
            acc = acc + av * bv
        out_v[pl.ds(c * _CH, _CH)] = 1.0 / (1.0 + jnp.exp(-acc))
        return carry

    lax.fori_loop(0, _NCH, chunk, 0)
    pltpu.sync_copy(out_v, out_hbm.at[pl.ds(base, _BPW)])


@jax.jit
def _gf(i, j, emb):
    return pl.kernel(
        _gf_body,
        out_type=jax.ShapeDtypeStruct((_B,), jnp.float32),
        mesh=plsc.VectorSubcoreMesh(core_axis_name="c", subcore_axis_name="s"),
        scratch_types=[
            pltpu.VMEM((_BPW,), jnp.int32),
            pltpu.VMEM((_BPW,), jnp.int32),
            pltpu.VMEM((_BPW, _D), jnp.float32),
            pltpu.VMEM((_BPW, _D), jnp.float32),
            pltpu.VMEM((_BPW,), jnp.float32),
            pltpu.SemaphoreType.DMA,
        ],
        compiler_params=pltpu.CompilerParams(
            needs_layout_passes=False, use_tc_tiling_on_sc=False),
    )(i, j, emb)


def kernel(i, j, emb):
    return _gf(i, j, emb)

# --- scband reference (transcript-rebuilt; emitter-appended) ---
"""Pipeline reference for scband-gf-53214644797812 (READ-ONLY COPY).

The authoritative reference and input builder live on the scoring server;
editing this copy changes nothing except your own understanding.
"""

import jax, jax.numpy as jnp
import numpy as np

NUM_EMBEDDINGS = 1000000
EMBEDDING_DIM = 16
BATCH = 16384

def setup_inputs(seed: int = 0) -> dict:
    key = jax.random.key(seed)
    k_i, k_j, k_emb = jax.random.split(key, 3)
    i = jax.random.randint(k_i, (BATCH,), 0, NUM_EMBEDDINGS, dtype=jnp.int64 if jax.config.jax_enable_x64 else jnp.int32)
    j = jax.random.randint(k_j, (BATCH,), 0, NUM_EMBEDDINGS, dtype=jnp.int64 if jax.config.jax_enable_x64 else jnp.int32)
    emb = jax.random.normal(k_emb, (NUM_EMBEDDINGS, EMBEDDING_DIM), dtype=jnp.float32)
    return {"i": i, "j": j, "emb": emb}

def reference(i, j, emb):
    # h_i = Embedding(i); h_j = Embedding(j)
    h_i = jnp.take(emb, i, axis=0)
    h_j = jnp.take(emb, j, axis=0)
    # sigmoid((h_i * h_j).sum(dim=1))
    return jax.nn.sigmoid(jnp.sum(h_i * h_j, axis=1))

if __name__ == "__main__":
    import jax
    _d = setup_inputs()
    print(jax.jit(kernel)(*tuple(_d.values())))

</pallas_src>

<mosaic_0001>
#map = affine_map<(d0, d1) -> (0)>
#map1 = affine_map<(d0, d1) -> (0, 0)>
module attributes {stable_mosaic.version = 14 : i64} {
  func.func @_gf_body(%arg0: i32, %arg1: i32, %arg2: memref<16384xi32, #tpu.memory_space<hbm>>, %arg3: memref<16384xi32, #tpu.memory_space<hbm>>, %arg4: memref<1000000x16xf32, #tpu.memory_space<hbm>>, %arg5: memref<16384xf32, #tpu.memory_space<hbm>>, %arg6: memref<512xi32, #tpu.memory_space<vmem>>, %arg7: memref<512xi32, #tpu.memory_space<vmem>>, %arg8: memref<512x16xf32, #tpu.memory_space<vmem>>, %arg9: memref<512x16xf32, #tpu.memory_space<vmem>>, %arg10: memref<512xf32, #tpu.memory_space<vmem>>, %arg11: memref<!tpu.dma_semaphore, #tpu.memory_space<semaphore_mem>>) attributes {dimension_semantics = [#tpu.dimension_semantics<core_parallel>, #tpu.dimension_semantics<subcore_parallel>], iteration_bounds = array<i64: 2, 16>, scalar_prefetch = 0 : i64, scratch_operands = 6 : i64, tpu.core_type = #tpu.core_type<sc_vector_subcore>, window_params = [{transform_indices = #map}, {transform_indices = #map}, {transform_indices = #map1}, {transform_indices = #map}]} {
    %mul3A = arith.constant 2 : i32
    %mul3A_0 = arith.muli %arg1, %mul3A : i32
    %add3A = arith.addi %mul3A_0, %arg0 : i32
    %mul3A_1 = arith.constant 512 : i32
    %mul3A_2 = arith.muli %add3A, %mul3A_1 : i32
    "tpu.region"() ({
      %run_scoped3A = tpu.sem_alloc : memref<!tpu.dma_semaphore, #tpu.memory_space<semaphore_mem>>
      %dma_start3A_18 = tpu.memref_slice %arg2[%mul3A_2] : memref<16384xi32, #tpu.memory_space<hbm>> -> memref<512xi32, #tpu.memory_space<hbm>>
      %dma_start3A_19 = tpu.memref_slice %arg2[%mul3A_2] : memref<16384xi32, #tpu.memory_space<hbm>> -> memref<512xi32, #tpu.memory_space<hbm>>
      tpu.enqueue_dma source(%dma_start3A_19 : memref<512xi32, #tpu.memory_space<hbm>>) target(%arg6 : memref<512xi32, #tpu.memory_space<vmem>>) target_semaphore(%run_scoped3A : memref<!tpu.dma_semaphore, #tpu.memory_space<semaphore_mem>>)
      %dma_wait3A_20 = tpu.memref_slice %arg2[%mul3A_2] : memref<16384xi32, #tpu.memory_space<hbm>> -> memref<512xi32, #tpu.memory_space<hbm>>
      %dma_wait3A_21 = tpu.memref_slice %arg2[%mul3A_2] : memref<16384xi32, #tpu.memory_space<hbm>> -> memref<512xi32, #tpu.memory_space<hbm>>
      tpu.wait_dma2 semaphore(%run_scoped3A : memref<!tpu.dma_semaphore, #tpu.memory_space<semaphore_mem>>) src(%dma_wait3A_21 : memref<512xi32, #tpu.memory_space<hbm>>) dst(%arg6 : memref<512xi32, #tpu.memory_space<vmem>>)
      tpu.yield
    }) : () -> ()
    "tpu.region"() ({
      %run_scoped3A = tpu.sem_alloc : memref<!tpu.dma_semaphore, #tpu.memory_space<semaphore_mem>>
      %dma_start3A_18 = tpu.memref_slice %arg3[%mul3A_2] : memref<16384xi32, #tpu.memory_space<hbm>> -> memref<512xi32, #tpu.memory_space<hbm>>
      %dma_start3A_19 = tpu.memref_slice %arg3[%mul3A_2] : memref<16384xi32, #tpu.memory_space<hbm>> -> memref<512xi32, #tpu.memory_space<hbm>>
      tpu.enqueue_dma source(%dma_start3A_19 : memref<512xi32, #tpu.memory_space<hbm>>) target(%arg7 : memref<512xi32, #tpu.memory_space<vmem>>) target_semaphore(%run_scoped3A : memref<!tpu.dma_semaphore, #tpu.memory_space<semaphore_mem>>)
      %dma_wait3A_20 = tpu.memref_slice %arg3[%mul3A_2] : memref<16384xi32, #tpu.memory_space<hbm>> -> memref<512xi32, #tpu.memory_space<hbm>>
      %dma_wait3A_21 = tpu.memref_slice %arg3[%mul3A_2] : memref<16384xi32, #tpu.memory_space<hbm>> -> memref<512xi32, #tpu.memory_space<hbm>>
      tpu.wait_dma2 semaphore(%run_scoped3A : memref<!tpu.dma_semaphore, #tpu.memory_space<semaphore_mem>>) src(%dma_wait3A_21 : memref<512xi32, #tpu.memory_space<hbm>>) dst(%arg7 : memref<512xi32, #tpu.memory_space<vmem>>)
      tpu.yield
    }) : () -> ()
    %dma_start3A = arith.constant 0 : i32
    %dma_start3A_3 = arith.constant 0 : i32
    %dma_start3A_4 = tpu.memref_slice %arg4[%dma_start3A, %dma_start3A_3] : memref<1000000x16xf32, #tpu.memory_space<hbm>> -> memref<1000000x16xf32, #tpu.memory_space<hbm>>
    tpu.enqueue_indirect_dma source(%dma_start3A_4 : memref<1000000x16xf32, #tpu.memory_space<hbm>>) target(%arg8 : memref<512x16xf32, #tpu.memory_space<vmem>>) offsets(%arg6 : memref<512xi32, #tpu.memory_space<vmem>>) semaphore(%arg11 : memref<!tpu.dma_semaphore, #tpu.memory_space<semaphore_mem>>)
    %dma_start3A_5 = arith.constant 0 : i32
    %dma_start3A_6 = arith.constant 0 : i32
    %dma_start3A_7 = tpu.memref_slice %arg4[%dma_start3A_5, %dma_start3A_6] : memref<1000000x16xf32, #tpu.memory_space<hbm>> -> memref<1000000x16xf32, #tpu.memory_space<hbm>>
    tpu.enqueue_indirect_dma source(%dma_start3A_7 : memref<1000000x16xf32, #tpu.memory_space<hbm>>) target(%arg9 : memref<512x16xf32, #tpu.memory_space<vmem>>) offsets(%arg7 : memref<512xi32, #tpu.memory_space<vmem>>) semaphore(%arg11 : memref<!tpu.dma_semaphore, #tpu.memory_space<semaphore_mem>>)
    %dma_wait3A = arith.constant 0 : i32
    %dma_wait3A_8 = arith.constant 0 : i32
    %dma_wait3A_9 = tpu.memref_slice %arg4[%dma_wait3A, %dma_wait3A_8] : memref<1000000x16xf32, #tpu.memory_space<hbm>> -> memref<1000000x16xf32, #tpu.memory_space<hbm>>
    tpu.wait_indirect_dma semaphore(%arg11 : memref<!tpu.dma_semaphore, #tpu.memory_space<semaphore_mem>>) src(%dma_wait3A_9 : memref<1000000x16xf32, #tpu.memory_space<hbm>>) dst(%arg8 : memref<512x16xf32, #tpu.memory_space<vmem>>)
    %dma_wait3A_10 = arith.constant 0 : i32
    %dma_wait3A_11 = arith.constant 0 : i32
    %dma_wait3A_12 = tpu.memref_slice %arg4[%dma_wait3A_10, %dma_wait3A_11] : memref<1000000x16xf32, #tpu.memory_space<hbm>> -> memref<1000000x16xf32, #tpu.memory_space<hbm>>
    tpu.wait_indirect_dma semaphore(%arg11 : memref<!tpu.dma_semaphore, #tpu.memory_space<semaphore_mem>>) src(%dma_wait3A_12 : memref<1000000x16xf32, #tpu.memory_space<hbm>>) dst(%arg9 : memref<512x16xf32, #tpu.memory_space<vmem>>)
    %scan3A = arith.constant 0 : i32
    %scan3A_13 = arith.constant 0 : i32
    %scan3A_14 = arith.constant 32 : i32
    %scan3A_15 = arith.addi %scan3A_13, %scan3A_14 : i32
    %scan3A_16 = arith.constant 1 : i32
    scf.for %scan3A_18 = %scan3A_13 to %scan3A_15 step %scan3A_16  : i32 {
      %mul3A_19 = arith.constant 16 : i32
      %mul3A_20 = arith.muli %scan3A_18, %mul3A_19 : i32
      %iota3A = tpu.iota {dimensions = array<i32: 0>} : vector<16xi32>
      %add3A_21 = vector.broadcast %mul3A_20 : i32 to vector<16xi32>
      %add3A_22 = arith.addi %add3A_21, %iota3A : vector<16xi32>
      %broadcast_in_dim3A = arith.constant 0.000000e+00 : f32
      %broadcast_in_dim3A_23 = vector.broadcast %broadcast_in_dim3A : f32 to vector<16xf32>
      %broadcast_in_dim3A_24 = arith.constant 0 : i32
      %broadcast_in_dim3A_25 = vector.broadcast %broadcast_in_dim3A_24 : i32 to vector<16xi32>
      %gather3A = tpu.vector_load_idx %arg8[%add3A_22, %broadcast_in_dim3A_25] : memref<512x16xf32, #tpu.memory_space<vmem>>[vector<16xi32>, vector<16xi32>], vector<16xf32>,
      %gather3A_26 = tpu.vector_load_idx %arg9[%add3A_22, %broadcast_in_dim3A_25] : memref<512x16xf32, #tpu.memory_space<vmem>>[vector<16xi32>, vector<16xi32>], vector<16xf32>,
      %mul3A_27 = arith.mulf %gather3A, %gather3A_26 : vector<16xf32>
      %add3A_28 = arith.addf %broadcast_in_dim3A_23, %mul3A_27 : vector<16xf32>
      %broadcast_in_dim3A_29 = arith.constant 1 : i32
      %broadcast_in_dim3A_30 = vector.broadcast %broadcast_in_dim3A_29 : i32 to vector<16xi32>
      %gather3A_31 = tpu.vector_load_idx %arg8[%add3A_22, %broadcast_in_dim3A_30] : memref<512x16xf32, #tpu.memory_space<vmem>>[vector<16xi32>, vector<16xi32>], vector<16xf32>,
      %gather3A_32 = tpu.vector_load_idx %arg9[%add3A_22, %broadcast_in_dim3A_30] : memref<512x16xf32, #tpu.memory_space<vmem>>[vector<16xi32>, vector<16xi32>], vector<16xf32>,
      %mul3A_33 = arith.mulf %gather3A_31, %gather3A_32 : vector<16xf32>
      %add3A_34 = arith.addf %add3A_28, %mul3A_33 : vector<16xf32>
      %broadcast_in_dim3A_35 = arith.constant 2 : i32
      %broadcast_in_dim3A_36 = vector.broadcast %broadcast_in_dim3A_35 : i32 to vector<16xi32>
      %gather3A_37 = tpu.vector_load_idx %arg8[%add3A_22, %broadcast_in_dim3A_36] : memref<512x16xf32, #tpu.memory_space<vmem>>[vector<16xi32>, vector<16xi32>], vector<16xf32>,
      %gather3A_38 = tpu.vector_load_idx %arg9[%add3A_22, %broadcast_in_dim3A_36] : memref<512x16xf32, #tpu.memory_space<vmem>>[vector<16xi32>, vector<16xi32>], vector<16xf32>,
      %mul3A_39 = arith.mulf %gather3A_37, %gather3A_38 : vector<16xf32>
      %add3A_40 = arith.addf %add3A_34, %mul3A_39 : vector<16xf32>
      %broadcast_in_dim3A_41 = arith.constant 3 : i32
      %broadcast_in_dim3A_42 = vector.broadcast %broadcast_in_dim3A_41 : i32 to vector<16xi32>
      %gather3A_43 = tpu.vector_load_idx %arg8[%add3A_22, %broadcast_in_dim3A_42] : memref<512x16xf32, #tpu.memory_space<vmem>>[vector<16xi32>, vector<16xi32>], vector<16xf32>,
      %gather3A_44 = tpu.vector_load_idx %arg9[%add3A_22, %broadcast_in_dim3A_42] : memref<512x16xf32, #tpu.memory_space<vmem>>[vector<16xi32>, vector<16xi32>], vector<16xf32>,
      %mul3A_45 = arith.mulf %gather3A_43, %gather3A_44 : vector<16xf32>
      %add3A_46 = arith.addf %add3A_40, %mul3A_45 : vector<16xf32>
      %broadcast_in_dim3A_47 = arith.constant 4 : i32
      %broadcast_in_dim3A_48 = vector.broadcast %broadcast_in_dim3A_47 : i32 to vector<16xi32>
      %gather3A_49 = tpu.vector_load_idx %arg8[%add3A_22, %broadcast_in_dim3A_48] : memref<512x16xf32, #tpu.memory_space<vmem>>[vector<16xi32>, vector<16xi32>], vector<16xf32>,
      %gather3A_50 = tpu.vector_load_idx %arg9[%add3A_22, %broadcast_in_dim3A_48] : memref<512x16xf32, #tpu.memory_space<vmem>>[vector<16xi32>, vector<16xi32>], vector<16xf32>,
      %mul3A_51 = arith.mulf %gather3A_49, %gather3A_50 : vector<16xf32>
      %add3A_52 = arith.addf %add3A_46, %mul3A_51 : vector<16xf32>
      %broadcast_in_dim3A_53 = arith.constant 5 : i32
      %broadcast_in_dim3A_54 = vector.broadcast %broadcast_in_dim3A_53 : i32 to vector<16xi32>
      %gather3A_55 = tpu.vector_load_idx %arg8[%add3A_22, %broadcast_in_dim3A_54] : memref<512x16xf32, #tpu.memory_space<vmem>>[vector<16xi32>, vector<16xi32>], vector<16xf32>,
      %gather3A_56 = tpu.vector_load_idx %arg9[%add3A_22, %broadcast_in_dim3A_54] : memref<512x16xf32, #tpu.memory_space<vmem>>[vector<16xi32>, vector<16xi32>], vector<16xf32>,
      %mul3A_57 = arith.mulf %gather3A_55, %gather3A_56 : vector<16xf32>
      %add3A_58 = arith.addf %add3A_52, %mul3A_57 : vector<16xf32>
      %broadcast_in_dim3A_59 = arith.constant 6 : i32
      %broadcast_in_dim3A_60 = vector.broadcast %broadcast_in_dim3A_59 : i32 to vector<16xi32>
      %gather3A_61 = tpu.vector_load_idx %arg8[%add3A_22, %broadcast_in_dim3A_60] : memref<512x16xf32, #tpu.memory_space<vmem>>[vector<16xi32>, vector<16xi32>], vector<16xf32>,
      %gather3A_62 = tpu.vector_load_idx %arg9[%add3A_22, %broadcast_in_dim3A_60] : memref<512x16xf32, #tpu.memory_space<vmem>>[vector<16xi32>, vector<16xi32>], vector<16xf32>,
      %mul3A_63 = arith.mulf %gather3A_61, %gather3A_62 : vector<16xf32>
      %add3A_64 = arith.addf %add3A_58, %mul3A_63 : vector<16xf32>
      %broadcast_in_dim3A_65 = arith.constant 7 : i32
      %broadcast_in_dim3A_66 = vector.broadcast %broadcast_in_dim3A_65 : i32 to vector<16xi32>
      %gather3A_67 = tpu.vector_load_idx %arg8[%add3A_22, %broadcast_in_dim3A_66] : memref<512x16xf32, #tpu.memory_space<vmem>>[vector<16xi32>, vector<16xi32>], vector<16xf32>,
      %gather3A_68 = tpu.vector_load_idx %arg9[%add3A_22, %broadcast_in_dim3A_66] : memref<512x16xf32, #tpu.memory_space<vmem>>[vector<16xi32>, vector<16xi32>], vector<16xf32>,
      %mul3A_69 = arith.mulf %gather3A_67, %gather3A_68 : vector<16xf32>
      %add3A_70 = arith.addf %add3A_64, %mul3A_69 : vector<16xf32>
      %broadcast_in_dim3A_71 = arith.constant 8 : i32
      %broadcast_in_dim3A_72 = vector.broadcast %broadcast_in_dim3A_71 : i32 to vector<16xi32>
      %gather3A_73 = tpu.vector_load_idx %arg8[%add3A_22, %broadcast_in_dim3A_72] : memref<512x16xf32, #tpu.memory_space<vmem>>[vector<16xi32>, vector<16xi32>], vector<16xf32>,
      %gather3A_74 = tpu.vector_load_idx %arg9[%add3A_22, %broadcast_in_dim3A_72] : memref<512x16xf32, #tpu.memory_space<vmem>>[vector<16xi32>, vector<16xi32>], vector<16xf32>,
      %mul3A_75 = arith.mulf %gather3A_73, %gather3A_74 : vector<16xf32>
      %add3A_76 = arith.addf %add3A_70, %mul3A_75 : vector<16xf32>
      %broadcast_in_dim3A_77 = arith.constant 9 : i32
      %broadcast_in_dim3A_78 = vector.broadcast %broadcast_in_dim3A_77 : i32 to vector<16xi32>
      %gather3A_79 = tpu.vector_load_idx %arg8[%add3A_22, %broadcast_in_dim3A_78] : memref<512x16xf32, #tpu.memory_space<vmem>>[vector<16xi32>, vector<16xi32>], vector<16xf32>,
      %gather3A_80 = tpu.vector_load_idx %arg9[%add3A_22, %broadcast_in_dim3A_78] : memref<512x16xf32, #tpu.memory_space<vmem>>[vector<16xi32>, vector<16xi32>], vector<16xf32>,
      %mul3A_81 = arith.mulf %gather3A_79, %gather3A_80 : vector<16xf32>
      %add3A_82 = arith.addf %add3A_76, %mul3A_81 : vector<16xf32>
      %broadcast_in_dim3A_83 = arith.constant 10 : i32
      %broadcast_in_dim3A_84 = vector.broadcast %broadcast_in_dim3A_83 : i32 to vector<16xi32>
      %gather3A_85 = tpu.vector_load_idx %arg8[%add3A_22, %broadcast_in_dim3A_84] : memref<512x16xf32, #tpu.memory_space<vmem>>[vector<16xi32>, vector<16xi32>], vector<16xf32>,
      %gather3A_86 = tpu.vector_load_idx %arg9[%add3A_22, %broadcast_in_dim3A_84] : memref<512x16xf32, #tpu.memory_space<vmem>>[vector<16xi32>, vector<16xi32>], vector<16xf32>,
      %mul3A_87 = arith.mulf %gather3A_85, %gather3A_86 : vector<16xf32>
      %add3A_88 = arith.addf %add3A_82, %mul3A_87 : vector<16xf32>
      %broadcast_in_dim3A_89 = arith.constant 11 : i32
      %broadcast_in_dim3A_90 = vector.broadcast %broadcast_in_dim3A_89 : i32 to vector<16xi32>
      %gather3A_91 = tpu.vector_load_idx %arg8[%add3A_22, %broadcast_in_dim3A_90] : memref<512x16xf32, #tpu.memory_space<vmem>>[vector<16xi32>, vector<16xi32>], vector<16xf32>,
      %gather3A_92 = tpu.vector_load_idx %arg9[%add3A_22, %broadcast_in_dim3A_90] : memref<512x16xf32, #tpu.memory_space<vmem>>[vector<16xi32>, vector<16xi32>], vector<16xf32>,
      %mul3A_93 = arith.mulf %gather3A_91, %gather3A_92 : vector<16xf32>
      %add3A_94 = arith.addf %add3A_88, %mul3A_93 : vector<16xf32>
      %broadcast_in_dim3A_95 = arith.constant 12 : i32
      %broadcast_in_dim3A_96 = vector.broadcast %broadcast_in_dim3A_95 : i32 to vector<16xi32>
      %gather3A_97 = tpu.vector_load_idx %arg8[%add3A_22, %broadcast_in_dim3A_96] : memref<512x16xf32, #tpu.memory_space<vmem>>[vector<16xi32>, vector<16xi32>], vector<16xf32>,
      %gather3A_98 = tpu.vector_load_idx %arg9[%add3A_22, %broadcast_in_dim3A_96] : memref<512x16xf32, #tpu.memory_space<vmem>>[vector<16xi32>, vector<16xi32>], vector<16xf32>,
      %mul3A_99 = arith.mulf %gather3A_97, %gather3A_98 : vector<16xf32>
      %add3A_100 = arith.addf %add3A_94, %mul3A_99 : vector<16xf32>
      %broadcast_in_dim3A_101 = arith.constant 13 : i32
      %broadcast_in_dim3A_102 = vector.broadcast %broadcast_in_dim3A_101 : i32 to vector<16xi32>
      %gather3A_103 = tpu.vector_load_idx %arg8[%add3A_22, %broadcast_in_dim3A_102] : memref<512x16xf32, #tpu.memory_space<vmem>>[vector<16xi32>, vector<16xi32>], vector<16xf32>,
      %gather3A_104 = tpu.vector_load_idx %arg9[%add3A_22, %broadcast_in_dim3A_102] : memref<512x16xf32, #tpu.memory_space<vmem>>[vector<16xi32>, vector<16xi32>], vector<16xf32>,
      %mul3A_105 = arith.mulf %gather3A_103, %gather3A_104 : vector<16xf32>
      %add3A_106 = arith.addf %add3A_100, %mul3A_105 : vector<16xf32>
      %broadcast_in_dim3A_107 = arith.constant 14 : i32
      %broadcast_in_dim3A_108 = vector.broadcast %broadcast_in_dim3A_107 : i32 to vector<16xi32>
      %gather3A_109 = tpu.vector_load_idx %arg8[%add3A_22, %broadcast_in_dim3A_108] : memref<512x16xf32, #tpu.memory_space<vmem>>[vector<16xi32>, vector<16xi32>], vector<16xf32>,
      %gather3A_110 = tpu.vector_load_idx %arg9[%add3A_22, %broadcast_in_dim3A_108] : memref<512x16xf32, #tpu.memory_space<vmem>>[vector<16xi32>, vector<16xi32>], vector<16xf32>,
      %mul3A_111 = arith.mulf %gather3A_109, %gather3A_110 : vector<16xf32>
      %add3A_112 = arith.addf %add3A_106, %mul3A_111 : vector<16xf32>
      %broadcast_in_dim3A_113 = arith.constant 15 : i32
      %broadcast_in_dim3A_114 = vector.broadcast %broadcast_in_dim3A_113 : i32 to vector<16xi32>
      %gather3A_115 = tpu.vector_load_idx %arg8[%add3A_22, %broadcast_in_dim3A_114] : memref<512x16xf32, #tpu.memory_space<vmem>>[vector<16xi32>, vector<16xi32>], vector<16xf32>,
      %gather3A_116 = tpu.vector_load_idx %arg9[%add3A_22, %broadcast_in_dim3A_114] : memref<512x16xf32, #tpu.memory_space<vmem>>[vector<16xi32>, vector<16xi32>], vector<16xf32>,
      %mul3A_117 = arith.mulf %gather3A_115, %gather3A_116 : vector<16xf32>
      %add3A_118 = arith.addf %add3A_112, %mul3A_117 : vector<16xf32>
      %neg3A = arith.constant 0.000000e+00 : f32
      %neg3A_119 = vector.broadcast %neg3A : f32 to vector<16xf32>
      %neg3A_120 = arith.subf %neg3A_119, %add3A_118 : vector<16xf32>
      %exp3A = math.exp %neg3A_120 : vector<16xf32>
      %add3A_121 = arith.constant 1.000000e+00 : f32
      %add3A_122 = vector.broadcast %add3A_121 : f32 to vector<16xf32>
      %add3A_123 = arith.addf %add3A_122, %exp3A : vector<16xf32>
      %div3A = arith.constant 1.000000e+00 : f32
      %div3A_124 = vector.broadcast %div3A : f32 to vector<16xf32>
      %div3A_125 = arith.divf %div3A_124, %add3A_123 : vector<16xf32>
      %mul3A_126 = arith.constant 16 : i32
      %mul3A_127 = arith.muli %scan3A_18, %mul3A_126 : i32
      %swap3A = arith.index_cast %mul3A_127 : i32 to index
      %swap3A_128 = tpu.vector_load %arg10[%swap3A] {strides = array<i32>} : memref<512xf32, #tpu.memory_space<vmem>>, vector<16xf32>,
      tpu.vector_store %arg10[%swap3A], %div3A_125 {strides = array<i32>} : memref<512xf32, #tpu.memory_space<vmem>>, vector<16xf32>,
    }
    %scan3A_17 = arith.constant 32 : i32
    "tpu.region"() ({
      %run_scoped3A = tpu.sem_alloc : memref<!tpu.dma_semaphore, #tpu.memory_space<semaphore_mem>>
      %dma_start3A_18 = tpu.memref_slice %arg5[%mul3A_2] : memref<16384xf32, #tpu.memory_space<hbm>> -> memref<512xf32, #tpu.memory_space<hbm>>
      %dma_start3A_19 = tpu.memref_slice %arg5[%mul3A_2] : memref<16384xf32, #tpu.memory_space<hbm>> -> memref<512xf32, #tpu.memory_space<hbm>>
      tpu.enqueue_dma source(%arg10 : memref<512xf32, #tpu.memory_space<vmem>>) target(%dma_start3A_19 : memref<512xf32, #tpu.memory_space<hbm>>) target_semaphore(%run_scoped3A : memref<!tpu.dma_semaphore, #tpu.memory_space<semaphore_mem>>)
      %dma_wait3A_20 = tpu.memref_slice %arg5[%mul3A_2] : memref<16384xf32, #tpu.memory_space<hbm>> -> memref<512xf32, #tpu.memory_space<hbm>>
      %dma_wait3A_21 = tpu.memref_slice %arg5[%mul3A_2] : memref<16384xf32, #tpu.memory_space<hbm>> -> memref<512xf32, #tpu.memory_space<hbm>>
      tpu.wait_dma2 semaphore(%run_scoped3A : memref<!tpu.dma_semaphore, #tpu.memory_space<semaphore_mem>>) src(%arg10 : memref<512xf32, #tpu.memory_space<vmem>>) dst(%dma_wait3A_21 : memref<512xf32, #tpu.memory_space<hbm>>)
      tpu.yield
    }) : () -> ()
    return
  }
}

</mosaic_0001>

<sc_bundles>
// kernel: _gf.3.cloned.1.call-start
scs
__scs_entry_jumppad:
0x0: {  	(pc) =	sbr.rel $0x88, $3  }
0x1: {  	(tag) =	ssettag $0x0;
	lr =	simm.s32 $0x1  }
0x2: {  	[smem:$0x3F9E] =	sst lr;
	_ =	strace $0xD0000000  }
0x3: {  	_ = 	snop  }
0x4: {  	_ = 	snop  }
0x5: {  	_ = 	snop  }
0x6: {  	_ = 	snop  }
0x7: {  	_ = 	snop  }
__scs_overlays_trampoline_lowered:
0x8: {  	[smem:$0x3FAD] =	sst s0  }
0x9: {  	[smem:$0x3FAE] =	sst s1  }
0xa: {  	[smem:$0x3FAF] =	sst s2  }
0xb: {  	[smem:$0x3FB0] =	sst s3  }
0xc: {  	[smem:$0x3FB1] =	sst s4  }
0xd: {  	[smem:$0x3FB2] =	sst s5  }
0xe: {  	[smem:$0x3FB3] =	sst s6  }
0xf: {  	[smem:$0x3FB4] =	sst s7  }
0x10: {  	[smem:$0x3FB5] =	sst s8  }
0x11: {  	[smem:$0x3FB6] =	sst s9;
	s0 =	simm.s32 @!p0 $0x0  }
0x12: {  	s1 =	sld [smem:$0x3F9C];
	s0 =	simm.s32 @p0 $0x1  }
0x13: {  	[smem:$0x3FB7] =	sst s0;
	s0 =	simm.s32 @!p1 $0x0  }
0x14: {  	s2 =	sld [smem:$0x3F9B];
	s0 =	simm.s32 @p1 $0x1  }
0x15: {  	[smem:$0x3FB8] =	sst s0;
	s0 =	simm.s32 @!p2 $0x0  }
0x16: {  	s3 =	sld [smem:$0x3FDB];
	s0 =	simm.s32 @p2 $0x1  }
0x17: {  	s4 =	simm.s32 $0x1BF5;
	[smem:$0x3FBA] =	sst s0  }
0x18: {  	s0 =	sld [smem:$0x3F9D];
	_ =	swait.ge [sflag:s4], $0x0  }
0x19: {  	s7 =	sld [smem:$0x3F9E]  }
0x1a: {  	s8 =	sadd.s32 $0xFFFFE003, lr  }
0x1b: {  	s9 =	sadd.s32 $0xFFFFFEF7, lr;
	s5 =	simm.s32 $0xFFFFFFFF;
	p2 =	slt.u32 s8, $0xFFFFF086  }
0x1c: {  	p1 =	slt.u32 s9, $0xF7A;
	s5 =	simm.s32 @!p2 $0x0  }
0x1d: {  	s5 =	simm.s32 @p1 $0x1;
	p0 =	seq.s32 s7, s2  }
0x1e: {  	s7 =	smul.u32 @!p0 $0xF7A, s2;
	p2 =	seq.s32 @!p0 s5, $0x0  }
0x1f: {  	s9 =	smul.u32 $0xF7A, s1;
	s8 =	simm.s32 @!p0 $0x1BF5;
	p2 =	por !p2, p0  }
0x20: {  	[sflag:s8] =	ssyncset.s32 @!p0 $0xFFFFF086;
	s6 =	sadd.s32 @!p0 s3, s7;
	s7 =	simm.s32 @!p0 $0x108  }
0x21: {  	s3 =	sadd.s32 s3, s9;
	s6 =	sadd.s32 @!p0 $0x88, s6;
	s7 =	simm.s32 @p2 $0x1082  }
0x22: {  	[simem:s7], [sflag:s8] =	dma.local @!p0 [hbm:s6], $0xF7A  }
0x23: {  	s9 =	sor.u32 $0xD0000000, s2;
	s6 =	simm.s32 $0x108;
	_ =	swait.ge @!p0 [sflag:s8], $0x0  }
0x24: {  	s3 =	sadd.s32 $0x88, s3;
	s6 =	simm.s32 @!p1 $0x1082;
	[sflag:s4] =	ssyncset.s32 $0xFFFFF086  }
0x25: {  	[simem:s6], [sflag:s4] =	dma.local [hbm:s3], $0xF7A  }
0x26: {  	[smem:$0x3F9E] =	sst s1;
	(tag) =	ssettag s2;
	_ =	strace s9  }
0x27: {  	s1 =	sld [smem:$0x3FAE]  }
0x28: {  	s2 =	sld [smem:$0x3FAF]  }
0x29: {  	s4 =	sld [smem:$0x3FB1]  }
0x2a: {  	p0 =	seq.s32 s5, $0x0;
	s5 =	sld [smem:$0x3FB2]  }
0x2b: {  	s6 =	sld [smem:$0x3FB3]  }
0x2c: {  	s7 =	sld [smem:$0x3FB4]  }
0x2d: {  	s3 =	simm.s32 $0x108;
	s8 =	sld [smem:$0x3FB5]  }
0x2e: {  	s3 =	simm.s32 @!p0 $0x1082;
	s9 =	sld [smem:$0x3FB6]  }
0x2f: {  	lr =	sadd.s32 s0, s3;
	s0 =	sld [smem:$0x3FAD]  }
0x30: {  	s3 =	sld [smem:$0x3FB0]  }
0x31: {  	[smem:$0x3FB9] =	sst s10  }
0x32: {  	s10 =	sld [smem:$0x3FB7];
	_ =	sdelay $0x3  }
0x33: {  	p0 =	seq.s32 s10, $0x1;
	s10 =	sld [smem:$0x3FB9];
	_ =	sdelay $0x3  }
0x34: {  	[smem:$0x3FB9] =	sst s10  }
0x35: {  	s10 =	sld [smem:$0x3FB8];
	_ =	sdelay $0x3  }
0x36: {  	p1 =	seq.s32 s10, $0x1;
	s10 =	sld [smem:$0x3FB9];
	_ =	sdelay $0x3  }
0x37: {  	[smem:$0x3FB9] =	sst s10  }
0x38: {  	s10 =	sld [smem:$0x3FBA]  }
0x39: {  	_ = 	snop;
	(pc) =	sbr.ind lr, $3  }
0x3a: {  	_ = 	snop  }
0x3b: {  	_ = 	snop  }
0x3c: {  	p2 =	seq.s32 s10, $0x1;
	s10 =	sld [smem:$0x3FB9]  }
0x3d: {  	_ =	shalt  }
0x3e: {  	_ =	shalt  }
0x3f: {  	_ =	shalt  }
0x40: {  	_ =	shalt  }
0x41: {  	_ =	shalt  }
0x42: {  	_ =	shalt  }
0x43: {  	_ =	shalt  }
0x44: {  	_ =	shalt  }
0x45: {  	_ =	shalt  }
0x46: {  	_ =	shalt  }
0x47: {  	_ =	shalt  }
0x48: {  	_ =	shalt  }
0x49: {  	_ =	shalt  }
0x4a: {  	_ =	shalt  }
0x4b: {  	_ =	shalt  }
0x4c: {  	_ =	shalt  }
0x4d: {  	_ =	shalt  }
0x4e: {  	_ =	shalt  }
0x4f: {  	_ =	shalt  }
0x50: {  	_ =	shalt  }
0x51: {  	_ =	shalt  }
0x52: {  	_ =	shalt  }
0x53: {  	_ =	shalt  }
0x54: {  	_ =	shalt  }
0x55: {  	_ =	shalt  }
0x56: {  	_ =	shalt  }
0x57: {  	_ =	shalt  }
0x58: {  	_ =	shalt  }
0x59: {  	_ =	shalt  }
0x5a: {  	_ =	shalt  }
0x5b: {  	_ =	shalt  }
0x5c: {  	_ =	shalt  }
0x5d: {  	_ =	shalt  }
0x5e: {  	_ =	shalt  }
0x5f: {  	_ =	shalt  }
0x60: {  	_ =	shalt  }
0x61: {  	_ =	shalt  }
0x62: {  	_ =	shalt  }
0x63: {  	_ =	shalt  }
0x64: {  	_ =	shalt  }
0x65: {  	_ =	shalt  }
0x66: {  	_ =	shalt  }
0x67: {  	_ =	shalt  }
0x68: {  	_ =	shalt  }
0x69: {  	_ =	shalt  }
0x6a: {  	_ =	shalt  }
0x6b: {  	_ =	shalt  }
0x6c: {  	_ =	shalt  }
0x6d: {  	_ =	shalt  }
0x6e: {  	_ =	shalt  }
0x6f: {  	_ =	shalt  }
0x70: {  	_ =	shalt  }
0x71: {  	_ =	shalt  }
0x72: {  	_ =	shalt  }
0x73: {  	_ =	shalt  }
0x74: {  	_ =	shalt  }
0x75: {  	_ =	shalt  }
0x76: {  	_ =	shalt  }
0x77: {  	_ =	shalt  }
0x78: {  	_ =	shalt  }
0x79: {  	_ =	shalt  }
0x7a: {  	_ =	shalt  }
0x7b: {  	_ =	shalt  }
0x7c: {  	_ =	shalt  }
0x7d: {  	_ =	shalt  }
0x7e: {  	_ =	shalt  }
0x7f: {  	_ =	shalt  }
0x80: {  	_ =	shalt  }
0x81: {  	_ =	shalt  }
0x82: {  	_ =	shalt  }
0x83: {  	_ =	shalt  }
0x84: {  	_ =	shalt  }
0x85: {  	_ =	shalt  }
0x86: {  	_ =	shalt  }
0x87: {  	_ =	shalt  }
.Lfunc_end0:
.L_simem_size_0:
called_computation_lowered:
.L_overlay_start_0:
0x88: {  	s2 =	sld [smem:$0x3FD9]  }
0x89: {  	s3 =	sld [smem:$0x3FFE];
	_ =	sdelay $0x1  }
0x8a: {  	s1 =	srdreg.scid  }
0x8b: {  	s0 =	sand.u32 $0x1, s1  }
0x8c: {  	s17 =	sshll.u32 s0, $0xA;
	s2 =	sadd.s32 s3, s2  }
0x8d: {  	s2 =	sadd.s32 s2, s17  }
0x8e: {  	[smem:$0x3FC5] =	sst s2  }
0x8f: {  	_ = 	snop  }
0x90: {  	s2 =	sld [smem:$0x3FC9]  }
0x91: {  	s18 =	sld [smem:$0x3FC8]  }
0x92: {  	s4 =	sld [smem:$0x3FD0];
	(tm) =	ssettm $0x1  }
0x93: {  	s5 =	sld [smem:$0x3FFB];
	_ =	sdelay $0x3  }
0x94: {  	_ =	strace s5  }
0x95: {  	s5 =	sld [smem:$0x3FFC];
	_ =	sdelay $0x3  }
0x96: {  	_ =	strace s5  }
0x97: {  	s5 =	sld [smem:$0x3FFD];
	_ =	sdelay $0x3  }
0x98: {  	_ =	strace s5  }
0x99: {  	_ =	strace $0x8FFFFFFF  }
0x9a: {  	s19 =	sld [smem:$0x3FDB];
	_ =	sdelay $0x1  }
0x9b: {  	s6 =	simm.s32 $_scs_section_size  }
0x9c: {  	s7 =	simm.s32 $_size__tile_overlayer_lowered;
	s8 =	simm.s32 $_tile_overlayer_lowered  }
0x9d: {  	s22 =	simm.s32 $0x1BFF;
	s21 =	sshll.u32 s8, $0x1;
	s5 =	sadd.s32 s6, s19  }
0x9e: {  	s9 =	simm.s32 $0x0;
	s20 =	sshll.u32 s7, $0x1;
	s7 =	sadd.s32 s21, s5  }
0x9f: {  	[timem:s9], [sflag:s22] =	dma.local [hbm:s7], s20  }
0xa0: {  	_ =	swait.ge [sflag:s22], s20  }
0xa1: {  	s6 =	ssub.s32 $0x0, s20;
	[sflag:s22] =	ssyncset.done $0x0  }
0xa2: {  	[sflag:s22] =	ssyncadd.s32 s6;
	_ =	sdelay $0x1  }
0xa3: {  	s23 =	simm.s32 $0x1B8B  }
0xa4: {  	_ =	swait.ge [sflag:s23], $0x1  }
0xa5: {  	[sflag:s23] =	ssyncset.done $0x0  }
0xa6: {  	s25 =	simm.s32 $0x1B8E;
	s24 =	sld [smem:$0x3FFE];
	[sflag:s23] =	ssyncadd.s32 $0xFFFFFFFF  }
0xa7: {  	s26 =	simm.s32 $execute0_lowered;
	[smem:$0x3FD2] =	sst s25  }
0xa8: {  	s7 =	sshll.u32 s26, $0x1;
	_ =	strace $0x80000046;
	[dreg:$0x1] =	wrdreg $0xFFFFFFFF  }
0xa9: {  	s28 =	simm.s32 $_size_execute0_lowered;
	s5 =	sadd.s32 s5, s7;
	[dreg:$0x0] =	wrdreg $0x0  }
0xaa: {  	s7 =	sshll.u32 s28, $0x1;
	[dreg:$0x2] =	wrdreg s5  }
0xab: {  	[dreg:$0x3] =	wrdreg s7  }
0xac: {  	[dreg:$0x4] =	wrdreg $0xC0  }
0xad: {  	_ =	task [dreg:s9], $0x5FFFF  }
0xae: {  	[dreg:$0x1] =	wrdreg $0xFFFFFFFF  }
0xaf: {  	[dreg:$0x0] =	wrdreg $0x60  }
0xb0: {  	[dreg:$0x2] =	wrdreg s2  }
0xb1: {  	[dreg:$0x3] =	wrdreg s18  }
0xb2: {  	[dreg:$0x4] =	wrdreg s24  }
0xb3: {  	[dreg:$0x5] =	wrdreg s4  }
0xb4: {  	[dreg:$0x6] =	wrdreg $0x9  }
0xb5: {  	_ =	task.clear_ibuf [dreg:s9], $0x7FFFF;
	_ =	strace $0x90000046  }
0xb6: {  	s29 =	simm.s32 $0x9;
	_ =	strace $0x80000048  }
0xb7: {  	_ =	swait.ge [sflag:s29], $0x1  }
0xb8: {  	[sflag:s29] =	ssyncadd.s32 $0xFFFFFFFF  }
0xb9: {  	_ =	strace $0x90000048  }
0xba: {  	_ =	sfence  }
0xbb: {  	s30 =	sld [smem:$0x0];
	_ =	sdelay $0x2  }
0xbc: {  	s31 =	sshll.u32 s1, $0xD;
	s1 =	sshrl.u32 s1, $0x2  }
0xbd: {  	s3 =	sand.u32 $0x4000, s31;
	s1 =	sadd.s32 s1, s30  }
0xbe: {  	s0 =	sor.u32 s3, s0;
	s1 =	sshll.u32 s1, $0x11  }
0xbf: {  	s0 =	sor.u32 s1, s0  }
0xc0: {  	s0 =	sadd.s32 $0x8F2B, s0  }
0xc1: {  	[sflag:s0] =	ssyncadd.remote.s32 $0x1  }
0xc2: {  	_ =	sfence.sel $0xFFFF  }
0xc3: {  	[dreg:$0x0] =	wrdreg $0xFFFFFFFF;
	(pc) =	sbr.abs _section_cstart, $3  }
0xc4: {  	[dreg:$0x1] =	wrdreg $0xFFFFFFFF  }
0xc5: {  	_ =	task.clear_ibuf [dreg:s9], $0x2FFFF;
	_ =	strace $0x9FFFFFFF  }
0xc6: {  	(tm) =	ssettm $0x7FFFFFFF  }
0xc7: {  	_ =	shalt  }
tec
execute0_lowered:
.L_overlay_start_1:
0x0: {  	(tag) =	ssettag $0x1  }
0x1: {  	s4 =	rddreg [dreg:$0x0]  }
0x2: {  	s5 =	rddreg [dreg:$0x1]  }
0x3: {  	s3 =	rddreg [dreg:$0x2]  }
0x4: {  	s6 =	rddreg [dreg:$0x3]  }
0x5: {  	s0 =	rddreg [dreg:$0x4]  }
0x6: {  	s2 =	simm.s32 $0x0;
	s7 =	srdreg.scid;
	s1 =	stileid.u32  }
0x7: {  	s11 =	simm.s32 $0x2400;
	s12 =	simm.s32 $0x1;
	s13 =	simm.s32 $0x4400  }
0x8: {  	s14 =	simm.s32 $0x0;
	[smem:$0x7FF] =	sst s2;
	s7 =	sand.u32 $0x1, s7  }
0x9: {  	s9 =	sshll.u32 s1, $0x7;
	s3 =	sadd.s32 $0xF42800, s3;
	s8 =	ssub.s32 $0x2, s7  }
0xa: {  	_ =	strace $0x80000047;
	s7 =	sshll.u32 s7, $0x6;
	s10 =	sshrl.u32 s8, $0x1  }
0xb: {  	v0 =	vlaneseq.u32;
	s7 =	sor.u32 s7, s9;
	s9 =	simm.s32 $0x200;
	s8 =	ssub.s32 s8, s10  }
0xc: {  	v0 =	vmul.u32 $0x10, v0;
	s4 =	sadd.s32 s4, s7;
	s5 =	sadd.s32 s5, s7;
	s6 =	sadd.s32 s6, s7  }
0xd: {  	s10 =	simm.s32 $0x400;
	s7 =	smax.u32 s8, $0x1;
	s8 =	simm.s32 $0x2  }
.LBB2_1:
0xe: {  	[tilespmem:s2], [sflag:$0x2] =	stream.linear.gather [hbm4b:s4+s2], $0x200, $0x38;
	[tilespmem:$0x4600] =	vst v63  }
0xf: {  	_ =	swait.ge [sflag:s8], $0x200  }
0x10: {  	[sflag:s8] =	ssyncset.done $0x0  }
0x11: {  	[sflag:s8] =	ssyncadd.s32 $0xFFFFFE00  }
0x12: {  	[tilespmem:s9], [sflag:$0x2] =	stream.linear.gather [hbm4b:s5+s2], $0x200, $0x38;
	[tilespmem:$0x4600] =	vst v63  }
0x13: {  	_ =	swait.ge [sflag:s8], $0x200  }
0x14: {  	[sflag:s8] =	ssyncset.done $0x0  }
0x15: {  	[sflag:s8] =	ssyncadd.s32 $0xFFFFFE00  }
0x16: {  	[tilespmem:s10], [sflag:$0x1] =	stream.indirect.gather [hbm4b:s3+s9], $0x10, s2, s9, $0xb8;
	[tilespmem:$0x4600] =	vst v63  }
0x17: {  	_ = 	snop  }
0x18: {  	v1 =	vmov s2;
	[tilespmem:s11], [sflag:$0x1] =	stream.indirect.gather [hbm4b:s3+s9], $0x10, s9, s9, $0xb8;
	[tilespmem:$0x4600] =	vst v63  }
0x19: {  	v1 =	vshll.u32 v1, $0x4;
	_ =	swait.ge [sflag:s12], $0x2000  }
0x1a: {  	v1 =	vor.u32 v0, v1;
	[sflag:s12] =	ssyncset.done $0x0  }
0x1b: {  	[sflag:s12] =	ssyncadd.s32 $0xFFFFE000  }
0x1c: {  	v2 =	vor.u32 $0x1, v1;
	_ =	swait.ge [sflag:s12], $0x2000  }
0x1d: {  	[sflag:s12] =	ssyncset.done $0x0  }
0x1e: {  	v3 =	vor.u32 $0x2, v1;
	[sflag:s12] =	ssyncadd.s32 $0xFFFFE000  }
0x1f: {  	v4 =	vld.idx.msk [tilespmem:v1+s11+$0x0], $0xffff  }
0x20: {  	v6 =	vor.u32 $0x3, v1;
	v5 =	vld.idx.msk [tilespmem:v1+s10+$0x0], $0xffff  }
0x21: {  	v7 =	vld.idx.msk [tilespmem:v2+s10+$0x0], $0xffff  }
0x22: {  	v8 =	vor.u32 $0x4, v1;
	v2 =	vld.idx.msk [tilespmem:v2+s11+$0x0], $0xffff  }
0x23: {  	v9 =	vld.idx.msk [tilespmem:v3+s10+$0x0], $0xffff  }
0x24: {  	v10 =	vor.u32 $0x5, v1;
	v3 =	vld.idx.msk [tilespmem:v3+s11+$0x0], $0xffff  }
0x25: {  	v11 =	vld.idx.msk [tilespmem:v6+s10+$0x0], $0xffff;
	v4 =	vmul.f32 v4, v5  }
0x26: {  	v41 =	vor.u32 $0x6, v1;
	v40 =	vld.idx.msk [tilespmem:v6+s11+$0x0], $0xffff  }
0x27: {  	v12 =	vld.idx.msk [tilespmem:v8+s10+$0x0], $0xffff;
	v2 =	vmul.f32 v2, v7;
	v4 =	vadd.f32 $0.0e+00, v4  }
0x28: {  	v43 =	vor.u32 $0x7, v1;
	v42 =	vld.idx.msk [tilespmem:v8+s11+$0x0], $0xffff  }
0x29: {  	v13 =	vld.idx.msk [tilespmem:v10+s10+$0x0], $0xffff;
	v3 =	vmul.f32 v3, v9;
	v2 =	vadd.f32 v2, v4  }
0x2a: {  	v45 =	vor.u32 $0x8, v1;
	v44 =	vld.idx.msk [tilespmem:v10+s11+$0x0], $0xffff  }
0x2b: {  	v46 =	vld.idx.msk [tilespmem:v41+s10+$0x0], $0xffff;
	v2 =	vadd.f32 v3, v2;
	v3 =	vmul.f32 v40, v11  }
0x2c: {  	v48 =	vor.u32 $0x9, v1;
	v47 =	vld.idx.msk [tilespmem:v41+s11+$0x0], $0xffff  }
0x2d: {  	v49 =	vld.idx.msk [tilespmem:v43+s10+$0x0], $0xffff;
	v2 =	vadd.f32 v3, v2;
	v3 =	vmul.f32 v42, v12  }
0x2e: {  	v51 =	vor.u32 $0xA, v1;
	v50 =	vld.idx.msk [tilespmem:v43+s11+$0x0], $0xffff  }
0x2f: {  	v52 =	vld.idx.msk [tilespmem:v45+s10+$0x0], $0xffff;
	v2 =	vadd.f32 v3, v2;
	v3 =	vmul.f32 v44, v13  }
0x30: {  	v54 =	vor.u32 $0xB, v1;
	v53 =	vld.idx.msk [tilespmem:v45+s11+$0x0], $0xffff  }
0x31: {  	v55 =	vld.idx.msk [tilespmem:v48+s10+$0x0], $0xffff;
	v2 =	vadd.f32 v3, v2;
	v3 =	vmul.f32 v47, v46  }
0x32: {  	v57 =	vor.u32 $0xC, v1;
	v56 =	vld.idx.msk [tilespmem:v48+s11+$0x0], $0xffff  }
0x33: {  	v58 =	vld.idx.msk [tilespmem:v51+s10+$0x0], $0xffff;
	v2 =	vadd.f32 v3, v2;
	v3 =	vmul.f32 v50, v49  }
0x34: {  	v60 =	vor.u32 $0xD, v1;
	v59 =	vld.idx.msk [tilespmem:v51+s11+$0x0], $0xffff  }
0x35: {  	v61 =	vld.idx.msk [tilespmem:v54+s10+$0x0], $0xffff;
	v2 =	vadd.f32 v3, v2;
	v3 =	vmul.f32 v53, v52  }
0x36: {  	v63 =	vor.u32 $0xE, v1;
	v62 =	vld.idx.msk [tilespmem:v54+s11+$0x0], $0xffff  }
0x37: {  	v16 =	vld.idx.msk [tilespmem:v57+s10+$0x0], $0xffff;
	v2 =	vadd.f32 v3, v2;
	v3 =	vmul.f32 v56, v55  }
0x38: {  	v17 =	vld.idx.msk [tilespmem:v57+s11+$0x0], $0xffff;
	v1 =	vor.u32 $0xF, v1  }
0x39: {  	v18 =	vld.idx.msk [tilespmem:v60+s10+$0x0], $0xffff;
	v2 =	vadd.f32 v3, v2;
	v3 =	vmul.f32 v59, v58  }
0x3a: {  	v19 =	vld.idx.msk [tilespmem:v60+s11+$0x0], $0xffff  }
0x3b: {  	v20 =	vld.idx.msk [tilespmem:v63+s10+$0x0], $0xffff;
	v2 =	vadd.f32 v3, v2;
	v3 =	vmul.f32 v62, v61  }
0x3c: {  	v21 =	vld.idx.msk [tilespmem:v63+s11+$0x0], $0xffff  }
0x3d: {  	v22 =	vld.idx.msk [tilespmem:v1+s10+$0x0], $0xffff;
	v2 =	vadd.f32 v3, v2;
	v3 =	vmul.f32 v17, v16  }
0x3e: {  	v1 =	vld.idx.msk [tilespmem:v1+s11+$0x0], $0xffff  }
0x3f: {  	v2 =	vadd.f32 v3, v2;
	v3 =	vmul.f32 v19, v18;
	_ =	sdelay $0x1  }
0x40: {  	v2 =	vadd.f32 v3, v2;
	v3 =	vmul.f32 v21, v20;
	_ =	sdelay $0x1  }
0x41: {  	v1 =	vmul.f32 v1, v22;
	v2 =	vadd.f32 v3, v2;
	_ =	sdelay $0x1  }
0x42: {  	v1 =	vadd.f32 v1, v2;
	_ =	sdelay $0x1  }
0x43: {  	v1 =	vsub.f32 $0.0e+00, v1;
	_ =	sdelay $0x1  }
0x44: {  	v1 =	vmul.f32 $1.442695020e+00, v1;
	_ =	sdelay $0x1  }
0x45: {  	(erf) = vpow2.f32 v1;
	_ =	sdelay $0x8  }
0x46: {  	v1 =	vpop (erf)  }
0x47: {  	v1 =	vadd.f32 $1.000000000e+00, v1;
	_ =	sdelay $0x1  }
0x48: {  	(erf) = vrcp.f32 v1;
	_ =	sdelay $0x2  }
0x49: {  	s15 =	simm.s32 $0x10  }
0x4a: {  	v1 =	vmov s15  }
0x4b: {  	v1 =	vshll.u32 v1, $0x4  }
0x4c: {  	v1 =	vor.u32 v0, v1;
	_ =	sdelay $0x1  }
0x4d: {  	v2 =	vor.u32 $0x1, v1  }
0x4e: {  	v3 =	vpop (erf)  }
0x4f: {  	v23 =	vor.u32 $0x2, v1;
	[tilespmem:s13+$0x0] =	vst v3  }
0x50: {  	v3 =	vld.idx.msk [tilespmem:v1+s11+$0x0], $0xffff  }
0x51: {  	v25 =	vor.u32 $0x3, v1;
	v24 =	vld.idx.msk [tilespmem:v1+s10+$0x0], $0xffff  }
0x52: {  	v26 =	vld.idx.msk [tilespmem:v2+s10+$0x0], $0xffff  }
0x53: {  	v27 =	vor.u32 $0x4, v1;
	v2 =	vld.idx.msk [tilespmem:v2+s11+$0x0], $0xffff  }
0x54: {  	v28 =	vld.idx.msk [tilespmem:v23+s10+$0x0], $0xffff  }
0x55: {  	v29 =	vor.u32 $0x5, v1;
	v4 =	vld.idx.msk [tilespmem:v23+s11+$0x0], $0xffff  }
0x56: {  	v30 =	vld.idx.msk [tilespmem:v25+s10+$0x0], $0xffff;
	v3 =	vmul.f32 v3, v24  }
0x57: {  	v32 =	vor.u32 $0x6, v1;
	v31 =	vld.idx.msk [tilespmem:v25+s11+$0x0], $0xffff  }
0x58: {  	v33 =	vld.idx.msk [tilespmem:v27+s10+$0x0], $0xffff;
	v2 =	vmul.f32 v2, v26;
	v3 =	vadd.f32 $0.0e+00, v3  }
0x59: {  	v35 =	vor.u32 $0x7, v1;
	v34 =	vld.idx.msk [tilespmem:v27+s11+$0x0], $0xffff  }
0x5a: {  	v36 =	vld.idx.msk [tilespmem:v29+s10+$0x0], $0xffff;
	v2 =	vadd.f32 v2, v3;
	v3 =	vmul.f32 v4, v28  }
0x5b: {  	v38 =	vor.u32 $0x8, v1;
	v37 =	vld.idx.msk [tilespmem:v29+s11+$0x0], $0xffff  }
0x5c: {  	v39 =	vld.idx.msk [tilespmem:v32+s10+$0x0], $0xffff;
	v2 =	vadd.f32 v3, v2;
	v3 =	vmul.f32 v31, v30  }
0x5d: {  	v41 =	vor.u32 $0x9, v1;
	v40 =	vld.idx.msk [tilespmem:v32+s11+$0x0], $0xffff  }
0x5e: {  	v42 =	vld.idx.msk [tilespmem:v35+s10+$0x0], $0xffff;
	v2 =	vadd.f32 v3, v2;
	v3 =	vmul.f32 v34, v33  }
0x5f: {  	v44 =	vor.u32 $0xA, v1;
	v43 =	vld.idx.msk [tilespmem:v35+s11+$0x0], $0xffff  }
0x60: {  	v45 =	vld.idx.msk [tilespmem:v38+s10+$0x0], $0xffff;
	v2 =	vadd.f32 v3, v2;
	v3 =	vmul.f32 v37, v36  }
0x61: {  	v47 =	vor.u32 $0xB, v1;
	v46 =	vld.idx.msk [tilespmem:v38+s11+$0x0], $0xffff  }
0x62: {  	v48 =	vld.idx.msk [tilespmem:v41+s10+$0x0], $0xffff;
	v2 =	vadd.f32 v3, v2;
	v3 =	vmul.f32 v40, v39  }
0x63: {  	v50 =	vor.u32 $0xC, v1;
	v49 =	vld.idx.msk [tilespmem:v41+s11+$0x0], $0xffff  }
0x64: {  	v51 =	vld.idx.msk [tilespmem:v44+s10+$0x0], $0xffff;
	v2 =	vadd.f32 v3, v2;
	v3 =	vmul.f32 v43, v42  }
0x65: {  	v53 =	vor.u32 $0xD, v1;
	v52 =	vld.idx.msk [tilespmem:v44+s11+$0x0], $0xffff  }
0x66: {  	v54 =	vld.idx.msk [tilespmem:v47+s10+$0x0], $0xffff;
	v2 =	vadd.f32 v3, v2;
	v3 =	vmul.f32 v46, v45  }
0x67: {  	v56 =	vor.u32 $0xE, v1;
	v55 =	vld.idx.msk [tilespmem:v47+s11+$0x0], $0xffff  }
0x68: {  	v57 =	vld.idx.msk [tilespmem:v50+s10+$0x0], $0xffff;
	v2 =	vadd.f32 v3, v2;
	v3 =	vmul.f32 v49, v48  }
0x69: {  	v58 =	vld.idx.msk [tilespmem:v50+s11+$0x0], $0xffff;
	v1 =	vor.u32 $0xF, v1  }
0x6a: {  	v59 =	vld.idx.msk [tilespmem:v53+s10+$0x0], $0xffff;
	v2 =	vadd.f32 v3, v2;
	v3 =	vmul.f32 v52, v51  }
0x6b: {  	v60 =	vld.idx.msk [tilespmem:v53+s11+$0x0], $0xffff  }
0x6c: {  	v61 =	vld.idx.msk [tilespmem:v56+s10+$0x0], $0xffff;
	v2 =	vadd.f32 v3, v2;
	v3 =	vmul.f32 v55, v54  }
0x6d: {  	v62 =	vld.idx.msk [tilespmem:v56+s11+$0x0], $0xffff  }
0x6e: {  	v63 =	vld.idx.msk [tilespmem:v1+s10+$0x0], $0xffff;
	v2 =	vadd.f32 v3, v2;
	v3 =	vmul.f32 v58, v57  }
0x6f: {  	v1 =	vld.idx.msk [tilespmem:v1+s11+$0x0], $0xffff  }
0x70: {  	v2 =	vadd.f32 v3, v2;
	v3 =	vmul.f32 v60, v59;
	_ =	sdelay $0x1  }
0x71: {  	v2 =	vadd.f32 v3, v2;
	v3 =	vmul.f32 v62, v61;
	_ =	sdelay $0x1  }
0x72: {  	v1 =	vmul.f32 v1, v63;
	v2 =	vadd.f32 v3, v2;
	_ =	sdelay $0x1  }
0x73: {  	v1 =	vadd.f32 v1, v2;
	_ =	sdelay $0x1  }
0x74: {  	v1 =	vsub.f32 $0.0e+00, v1;
	_ =	sdelay $0x1  }
0x75: {  	v1 =	vmul.f32 $1.442695020e+00, v1;
	_ =	sdelay $0x1  }
0x76: {  	(erf) = vpow2.f32 v1;
	_ =	sdelay $0x8  }
0x77: {  	v1 =	vpop (erf)  }
0x78: {  	v1 =	vadd.f32 $1.000000000e+00, v1;
	_ =	sdelay $0x1  }
0x79: {  	(erf) = vrcp.f32 v1;
	_ =	sdelay $0x2  }
0x7a: {  	s31 =	simm.s32 $0x20  }
0x7b: {  	v2 =	vmov s31  }
0x7c: {  	s16 =	simm.s32 $0x30;
	s15 =	simm.s32 $0x4400;
	v1 =	vshll.u32 v2, $0x4  }
.LBB2_2:
0x7d: {  	p0 =	sne.s32 s16, $0x1F0;
	v1 =	vor.u32 v0, v1;
	_ =	sdelay $0x1  }
0x7e: {  	v2 =	vor.u32 $0x1, v1  }
0x7f: {  	s15 =	sadd.s32 $0x10, s15;
	v3 =	vpop (erf)  }
0x80: {  	v4 =	vor.u32 $0x2, v1;
	[tilespmem:s15+$0x0] =	vst v3  }
0x81: {  	v3 =	vld.idx.msk [tilespmem:v1+s11+$0x0], $0xffff  }
0x82: {  	v6 =	vor.u32 $0x3, v1;
	v5 =	vld.idx.msk [tilespmem:v1+s10+$0x0], $0xffff  }
0x83: {  	v7 =	vld.idx.msk [tilespmem:v2+s10+$0x0], $0xffff  }
0x84: {  	v8 =	vor.u32 $0x4, v1;
	v2 =	vld.idx.msk [tilespmem:v2+s11+$0x0], $0xffff  }
0x85: {  	v9 =	vld.idx.msk [tilespmem:v4+s10+$0x0], $0xffff  }
0x86: {  	v10 =	vor.u32 $0x5, v1;
	v4 =	vld.idx.msk [tilespmem:v4+s11+$0x0], $0xffff  }
0x87: {  	v11 =	vld.idx.msk [tilespmem:v6+s10+$0x0], $0xffff  }
0x88: {  	v3 =	vmul.f32 v3, v5;
	v5 =	vld.idx.msk [tilespmem:v6+s11+$0x0], $0xffff;
	v6 =	vor.u32 $0x6, v1  }
0x89: {  	v12 =	vld.idx.msk [tilespmem:v8+s10+$0x0], $0xffff  }
0x8a: {  	v3 =	vadd.f32 $0.0e+00, v3;
	v2 =	vmul.f32 v2, v7;
	v7 =	vld.idx.msk [tilespmem:v8+s11+$0x0], $0xffff;
	v8 =	vor.u32 $0x7, v1  }
0x8b: {  	v13 =	vld.idx.msk [tilespmem:v10+s10+$0x0], $0xffff  }
0x8c: {  	v2 =	vadd.f32 v2, v3;
	v3 =	vmul.f32 v4, v9;
	v9 =	vor.u32 $0x8, v1;
	v4 =	vld.idx.msk [tilespmem:v10+s11+$0x0], $0xffff  }
0x8d: {  	v10 =	vld.idx.msk [tilespmem:v6+s10+$0x0], $0xffff  }
0x8e: {  	v2 =	vadd.f32 v3, v2;
	v3 =	vmul.f32 v5, v11;
	v5 =	vld.idx.msk [tilespmem:v6+s11+$0x0], $0xffff;
	v6 =	vor.u32 $0x9, v1  }
0x8f: {  	v11 =	vld.idx.msk [tilespmem:v8+s10+$0x0], $0xffff  }
0x90: {  	v2 =	vadd.f32 v3, v2;
	v3 =	vmul.f32 v7, v12;
	v7 =	vld.idx.msk [tilespmem:v8+s11+$0x0], $0xffff;
	v8 =	vor.u32 $0xA, v1  }
0x91: {  	v12 =	vld.idx.msk [tilespmem:v9+s10+$0x0], $0xffff  }
0x92: {  	v2 =	vadd.f32 v3, v2;
	v3 =	vmul.f32 v4, v13;
	v4 =	vld.idx.msk [tilespmem:v9+s11+$0x0], $0xffff;
	v9 =	vor.u32 $0xB, v1  }
0x93: {  	v13 =	vld.idx.msk [tilespmem:v6+s10+$0x0], $0xffff  }
0x94: {  	v2 =	vadd.f32 v3, v2;
	v3 =	vmul.f32 v5, v10;
	v5 =	vld.idx.msk [tilespmem:v6+s11+$0x0], $0xffff;
	v6 =	vor.u32 $0xC, v1  }
0x95: {  	v10 =	vld.idx.msk [tilespmem:v8+s10+$0x0], $0xffff  }
0x96: {  	v2 =	vadd.f32 v3, v2;
	v3 =	vmul.f32 v7, v11;
	v7 =	vld.idx.msk [tilespmem:v8+s11+$0x0], $0xffff;
	v8 =	vor.u32 $0xD, v1  }
0x97: {  	v11 =	vld.idx.msk [tilespmem:v9+s10+$0x0], $0xffff  }
0x98: {  	v2 =	vadd.f32 v3, v2;
	v3 =	vmul.f32 v4, v12;
	v4 =	vld.idx.msk [tilespmem:v9+s11+$0x0], $0xffff;
	v9 =	vor.u32 $0xE, v1  }
0x99: {  	v12 =	vld.idx.msk [tilespmem:v6+s10+$0x0], $0xffff  }
0x9a: {  	v1 =	vor.u32 $0xF, v1;
	v2 =	vadd.f32 v3, v2;
	v3 =	vmul.f32 v5, v13;
	v5 =	vld.idx.msk [tilespmem:v6+s11+$0x0], $0xffff  }
0x9b: {  	v6 =	vld.idx.msk [tilespmem:v8+s10+$0x0], $0xffff  }
0x9c: {  	v2 =	vadd.f32 v3, v2;
	v3 =	vmul.f32 v7, v10;
	v7 =	vld.idx.msk [tilespmem:v8+s11+$0x0], $0xffff  }
0x9d: {  	v8 =	vld.idx.msk [tilespmem:v9+s10+$0x0], $0xffff  }
0x9e: {  	v2 =	vadd.f32 v3, v2;
	v3 =	vmul.f32 v4, v11;
	v4 =	vld.idx.msk [tilespmem:v9+s11+$0x0], $0xffff  }
0x9f: {  	v9 =	vld.idx.msk [tilespmem:v1+s10+$0x0], $0xffff  }
0xa0: {  	v2 =	vadd.f32 v3, v2;
	v3 =	vmul.f32 v5, v12;
	v1 =	vld.idx.msk [tilespmem:v1+s11+$0x0], $0xffff;
	_ =	sdelay $0x1  }
0xa1: {  	v2 =	vadd.f32 v3, v2;
	v3 =	vmul.f32 v7, v6;
	_ =	sdelay $0x1  }
0xa2: {  	v2 =	vadd.f32 v3, v2;
	v3 =	vmul.f32 v4, v8;
	_ =	sdelay $0x1  }
0xa3: {  	v2 =	vadd.f32 v3, v2;
	v1 =	vmul.f32 v1, v9;
	_ =	sdelay $0x1  }
0xa4: {  	v1 =	vadd.f32 v1, v2;
	_ =	sdelay $0x1  }
0xa5: {  	v1 =	vsub.f32 $0.0e+00, v1;
	_ =	sdelay $0x1  }
0xa6: {  	v1 =	vmul.f32 $1.442695020e+00, v1;
	_ =	sdelay $0x1  }
0xa7: {  	(erf) = vpow2.f32 v1;
	_ =	sdelay $0x8  }
0xa8: {  	v1 =	vpop (erf)  }
0xa9: {  	v1 =	vadd.f32 $1.000000000e+00, v1;
	_ =	sdelay $0x1  }
0xaa: {  	(erf) = vrcp.f32 v1  }
.Ltmp0:
0xab: {  	(pc) =	sbr.rel @p0 .LBB2_2-.Ltmp0, $3  }
0xac: {  	_ =	sdelay $0x1  }
0xad: {  	v1 =	vmov s16  }
0xae: {  	s16 =	sadd.s32 $0x10, s16;
	v1 =	vshll.u32 v1, $0x4  }
0xaf: {  	v1 =	vor.u32 v0, v1;
	_ =	sdelay $0x1  }
0xb0: {  	v2 =	vor.u32 $0x1, v1  }
0xb1: {  	s15 =	sadd.s32 $0x10, s15;
	v3 =	vpop (erf)  }
0xb2: {  	v4 =	vor.u32 $0x2, v1;
	[tilespmem:s15+$0x0] =	vst v3  }
0xb3: {  	v3 =	vld.idx.msk [tilespmem:v1+s11+$0x0], $0xffff  }
0xb4: {  	v6 =	vor.u32 $0x3, v1;
	v5 =	vld.idx.msk [tilespmem:v1+s10+$0x0], $0xffff  }
0xb5: {  	v7 =	vld.idx.msk [tilespmem:v2+s10+$0x0], $0xffff  }
0xb6: {  	v8 =	vor.u32 $0x4, v1;
	v2 =	vld.idx.msk [tilespmem:v2+s11+$0x0], $0xffff  }
0xb7: {  	v9 =	vld.idx.msk [tilespmem:v4+s10+$0x0], $0xffff  }
0xb8: {  	v10 =	vor.u32 $0x5, v1;
	v4 =	vld.idx.msk [tilespmem:v4+s11+$0x0], $0xffff  }
0xb9: {  	v11 =	vld.idx.msk [tilespmem:v6+s10+$0x0], $0xffff;
	v3 =	vmul.f32 v3, v5  }
0xba: {  	v34 =	vor.u32 $0x6, v1;
	v33 =	vld.idx.msk [tilespmem:v6+s11+$0x0], $0xffff  }
0xbb: {  	v12 =	vld.idx.msk [tilespmem:v8+s10+$0x0], $0xffff;
	v2 =	vmul.f32 v2, v7;
	v3 =	vadd.f32 $0.0e+00, v3  }
0xbc: {  	v36 =	vor.u32 $0x7, v1;
	v35 =	vld.idx.msk [tilespmem:v8+s11+$0x0], $0xffff  }
0xbd: {  	v13 =	vld.idx.msk [tilespmem:v10+s10+$0x0], $0xffff;
	v2 =	vadd.f32 v2, v3;
	v3 =	vmul.f32 v4, v9  }
0xbe: {  	v38 =	vor.u32 $0x8, v1;
	v37 =	vld.idx.msk [tilespmem:v10+s11+$0x0], $0xffff  }
0xbf: {  	v39 =	vld.idx.msk [tilespmem:v34+s10+$0x0], $0xffff;
	v2 =	vadd.f32 v3, v2;
	v3 =	vmul.f32 v33, v11  }
0xc0: {  	v41 =	vor.u32 $0x9, v1;
	v40 =	vld.idx.msk [tilespmem:v34+s11+$0x0], $0xffff  }
0xc1: {  	v42 =	vld.idx.msk [tilespmem:v36+s10+$0x0], $0xffff;
	v2 =	vadd.f32 v3, v2;
	v3 =	vmul.f32 v35, v12  }
0xc2: {  	v44 =	vor.u32 $0xA, v1;
	v43 =	vld.idx.msk [tilespmem:v36+s11+$0x0], $0xffff  }
0xc3: {  	v45 =	vld.idx.msk [tilespmem:v38+s10+$0x0], $0xffff;
	v2 =	vadd.f32 v3, v2;
	v3 =	vmul.f32 v37, v13  }
0xc4: {  	v47 =	vor.u32 $0xB, v1;
	v46 =	vld.idx.msk [tilespmem:v38+s11+$0x0], $0xffff  }
0xc5: {  	v48 =	vld.idx.msk [tilespmem:v41+s10+$0x0], $0xffff;
	v2 =	vadd.f32 v3, v2;
	v3 =	vmul.f32 v40, v39  }
0xc6: {  	v50 =	vor.u32 $0xC, v1;
	v49 =	vld.idx.msk [tilespmem:v41+s11+$0x0], $0xffff  }
0xc7: {  	v51 =	vld.idx.msk [tilespmem:v44+s10+$0x0], $0xffff;
	v2 =	vadd.f32 v3, v2;
	v3 =	vmul.f32 v43, v42  }
0xc8: {  	v53 =	vor.u32 $0xD, v1;
	v52 =	vld.idx.msk [tilespmem:v44+s11+$0x0], $0xffff  }
0xc9: {  	v54 =	vld.idx.msk [tilespmem:v47+s10+$0x0], $0xffff;
	v2 =	vadd.f32 v3, v2;
	v3 =	vmul.f32 v46, v45  }
0xca: {  	v56 =	vor.u32 $0xE, v1;
	v55 =	vld.idx.msk [tilespmem:v47+s11+$0x0], $0xffff  }
0xcb: {  	v57 =	vld.idx.msk [tilespmem:v50+s10+$0x0], $0xffff;
	v2 =	vadd.f32 v3, v2;
	v3 =	vmul.f32 v49, v48  }
0xcc: {  	v1 =	vor.u32 $0xF, v1;
	v58 =	vld.idx.msk [tilespmem:v50+s11+$0x0], $0xffff  }
0xcd: {  	v59 =	vld.idx.msk [tilespmem:v53+s10+$0x0], $0xffff;
	v2 =	vadd.f32 v3, v2;
	v3 =	vmul.f32 v52, v51  }
0xce: {  	v60 =	vld.idx.msk [tilespmem:v53+s11+$0x0], $0xffff  }
0xcf: {  	v61 =	vld.idx.msk [tilespmem:v56+s10+$0x0], $0xffff;
	v2 =	vadd.f32 v3, v2;
	v3 =	vmul.f32 v55, v54  }
0xd0: {  	v62 =	vld.idx.msk [tilespmem:v56+s11+$0x0], $0xffff  }
0xd1: {  	v63 =	vld.idx.msk [tilespmem:v1+s10+$0x0], $0xffff;
	v2 =	vadd.f32 v3, v2;
	v3 =	vmul.f32 v58, v57  }
0xd2: {  	v1 =	vld.idx.msk [tilespmem:v1+s11+$0x0], $0xffff  }
0xd3: {  	v2 =	vadd.f32 v3, v2;
	v3 =	vmul.f32 v60, v59;
	_ =	sdelay $0x1  }
0xd4: {  	v2 =	vadd.f32 v3, v2;
	v3 =	vmul.f32 v62, v61;
	_ =	sdelay $0x1  }
0xd5: {  	v1 =	vmul.f32 v1, v63;
	v2 =	vadd.f32 v3, v2;
	_ =	sdelay $0x1  }
0xd6: {  	v1 =	vadd.f32 v1, v2;
	_ =	sdelay $0x1  }
0xd7: {  	v1 =	vsub.f32 $0.0e+00, v1;
	_ =	sdelay $0x1  }
0xd8: {  	v1 =	vmul.f32 $1.442695020e+00, v1;
	_ =	sdelay $0x1  }
0xd9: {  	(erf) = vpow2.f32 v1;
	_ =	sdelay $0x8  }
0xda: {  	v1 =	vpop (erf)  }
0xdb: {  	v1 =	vadd.f32 $1.000000000e+00, v1;
	_ =	sdelay $0x1  }
0xdc: {  	(erf) = vrcp.f32 v1;
	_ =	sdelay $0x7  }
0xdd: {  	s14 =	sadd.s32 $0x1, s14  }
0xde: {  	p0 =	sne.s32 s14, s7;
	s15 =	sadd.s32 $0x10, s15;
	v1 =	vpop (erf)  }
.Ltmp1:
0xdf: {  	[tilespmem:s15+$0x0] =	vst v1;
	(pc) =	sbr.rel @p0 .LBB2_1-.Ltmp1, $4  }
0xe0: {  	[hbm4b:s6+s2] =	stream.linear.scatter [tilespmem:s13], [sflag:$0x2], $0x200, $0x38;
	[tilespmem:$0x4600] =	vst v63  }
0xe1: {  	_ =	swait.ge [sflag:s8], $0x200  }
0xe2: {  	[sflag:s8] =	ssyncset.done $0x0  }
0xe3: {  	[sflag:s8] =	ssyncadd.s32 $0xFFFFFE00  }
0xe4: {  	_ =	sfence.sel $0x180000  }
0xe5: {  	[bflag:$0x0] =	sbarrier.arrive $0xFFFF  }
0xe6: {  	p0 =	sne.s32 s1, $0x0;
	_ =	strace $0x90000047  }
0xe7: {  	s0 =	sadd.s32 @!p0 $0x100000, s0;
	[bflag:$0x2] =	sbarrier.arrive $0xFFFF  }
0xe8: {  	[sflag:s0] =	ssyncadd.tile.s32 @!p0 $0x1;
	_ =	shalt  }
.Lfunc_end2:
_tile_overlayer_lowered:
.L_overlay_start_2:
0xe9: {  	(tag) =	ssettag $0x2  }
0xea: {  	s0 =	rddreg [dreg:$0x0];
	s2 =	stileid.u32  }
0xeb: {  	s1 =	rddreg [dreg:$0x1];
	p0 =	sne.s32 s2, $0x0  }
0xec: {  	s3 =	rddreg [dreg:$0x2];
	[bflag:$0x3] =	sbarrier.arrive $0xFFFF;
	s2 =	simm.s32 @!p0 $0x1C02  }
0xed: {  	[timem:s3], [sflag:s2] =	dma.local @!p0 [hbm:s0], s1  }
0xee: {  	s0 =	simm.s32 @!p0 $0x2  }
0xef: {  	_ =	swait.ge @!p0 [sflag:s0], s1  }
0xf0: {  	s1 =	ssub.s32 @!p0 $0x0, s1;
	[sflag:s0] =	ssyncset.done @!p0 $0x0  }
0xf1: {  	[sflag:s0] =	ssyncadd.s32 @!p0 s1  }
0xf2: {  	[bflag:$0x3] =	sbarrier.arrive $0xFFFF  }
0xf3: {  	_ =	shalt  }

</sc_bundles>
